<compile_context>
chip_gen: v7x
topology: tpu7x:2x2x1
jax: 0.10.2.dev20260603
libtpu: 0.0.44.dev20260713+nightly
codegen_flags: <defaults>
</compile_context>

<pallas_src>
import functools

import jax
import jax.numpy as jnp
from jax import lax
from jax.experimental import pallas as pl
from jax.experimental.pallas import tpu as pltpu
from jax.experimental.pallas import tpu_sc as plsc

_THRESHOLD = 0.8
_NPAD = 1024
_CELLS = 20
_L = 16
_NCHUNK = _NPAD // _L


def _keep_kernel(b_ref, bT_ref, keep_ref):
    b = b_ref[0]
    x1c = b[:, 0:1]
    y1c = b[:, 1:2]
    x2c = b[:, 2:3]
    y2c = b[:, 3:4]
    x1r = bT_ref[0, 0:1, :]
    y1r = bT_ref[0, 1:2, :]
    x2r = bT_ref[0, 2:3, :]
    y2r = bT_ref[0, 3:4, :]
    scr = bT_ref[0, 4:5, :]

    n_valid = jnp.sum((scr != 0.0).astype(jnp.int32))
    iota_r = lax.broadcasted_iota(jnp.int32, (1, _NPAD), 1)
    iota_c = lax.broadcasted_iota(jnp.int32, (_NPAD, 1), 0)
    valid_r = iota_r < n_valid
    valid_c = iota_c < n_valid

    area_r = (x2r - x1r) * (y2r - y1r)
    area_c = (x2c - x1c) * (y2c - y1c)
    aj = jnp.where(valid_r, area_r, 0.0)

    mask = ((x1r >= x1c) & (y1r >= y1c)) & ((x2r <= x2c) & (y2r <= y2c))
    S = jnp.sum(jnp.where(mask, aj, 0.0), axis=1, keepdims=True)

    keep = (S <= area_c + _THRESHOLD * (area_c + 1e-9)) & valid_c
    keep_ref[0] = keep.astype(jnp.float32)


def _tc_keep(b, bT):
    return pl.pallas_call(
        _keep_kernel,
        grid=(_CELLS,),
        in_specs=[
            pl.BlockSpec((1, _NPAD, 8), lambda i: (i, 0, 0)),
            pl.BlockSpec((1, 8, _NPAD), lambda i: (i, 0, 0)),
        ],
        out_specs=pl.BlockSpec((1, _NPAD, 1), lambda i: (i, 0, 0)),
        out_shape=jax.ShapeDtypeStruct((_CELLS, _NPAD, 1), jnp.float32),
    )(b, bT)


_ROW = 5000
_OBUF = 5008


def _sc_compact(comp, keep):
    mesh = plsc.VectorSubcoreMesh(core_axis_name="c", subcore_axis_name="s")
    info = plsc.get_sparse_core_info()
    nc = info.num_cores
    _B = 5 * _NPAD

    @functools.partial(
        pl.kernel,
        mesh=mesh,
        out_type=jax.ShapeDtypeStruct((_CELLS * _B,), jnp.float32),
        compiler_params=pltpu.CompilerParams(needs_layout_passes=False),
        scratch_types=[
            pltpu.VMEM((_B,), jnp.float32),
            pltpu.VMEM((_B,), jnp.float32),
            pltpu.VMEM((_NPAD,), jnp.float32)
        ],
    )
    def k(comp_hbm, keep_hbm, out_hbm, bloc, obuf, kb):
        cell = lax.axis_index("s") * nc + lax.axis_index("c")

        @pl.when(cell < _CELLS)
        def _():
            pltpu.sync_copy(comp_hbm.at[pl.ds(cell * _B, _B)], bloc)
            pltpu.sync_copy(keep_hbm.at[pl.ds(cell * _NPAD, _NPAD)], kb)

            zeros = jnp.zeros((_L,), jnp.float32)

            def zero_body(ch, carry):
                obuf[pl.ds(ch * _L, _L)] = zeros
                return carry

            lax.fori_loop(0, _B // _L, zero_body, 0)

            one_i = jnp.ones((_L,), jnp.int32)
            zero_i = jnp.zeros((_L,), jnp.int32)

            def scat_body(ch, off):
                sl = pl.ds(ch * _L, _L)
                kmask = kb[sl] != 0.0
                ki = jnp.where(kmask, one_i, zero_i)
                idx = off + plsc.cumsum(ki) - 1
                for m in range(5):
                    plsc.store_scatter(obuf, [idx + m * _NPAD],
                                       bloc[pl.ds(m * _NPAD + ch * _L, _L)],
                                       mask=kmask)
                return off + plsc.all_reduce_population_count(kmask)

            off0 = jnp.zeros((_L,), jnp.int32)
            off = lax.fori_loop(0, 63, scat_body, off0)
            any_keep = off > 0

            def merge_body(ch, carry):
                sl = pl.ds(ch * _L, _L)
                obuf[sl] = jnp.where(any_keep, obuf[sl], bloc[sl])
                return carry

            lax.fori_loop(0, _B // _L, merge_body, 0)
            pltpu.sync_copy(obuf, out_hbm.at[pl.ds(cell * _B, _B)])

    return k(comp, keep)


@jax.jit
def kernel(box_prompts):
    T, C, N, F = box_prompts.shape
    flat = box_prompts.reshape(_CELLS, N, F)
    b = jnp.pad(flat, ((0, 0), (0, _NPAD - N), (0, 8 - F)))
    bT = jnp.transpose(b, (0, 2, 1))
    keep = _tc_keep(b, bT)[:, :, 0]
    outT = _sc_compact(
        bT[:, :5].reshape(-1), keep.reshape(-1)
    ).reshape(_CELLS, 5, _NPAD)
    out = jnp.transpose(outT, (0, 2, 1))
    return out[:, :N, :].reshape(T, C, N, F)

# --- scband reference (transcript-rebuilt; emitter-appended) ---
"""Pipeline reference for scband-box-prompt-filter-49100066127872 (READ-ONLY COPY).

The authoritative reference and input builder live on the scoring server;
editing this copy changes nothing except your own understanding.
"""

import jax, jax.numpy as jnp
import numpy as np

THRESHOLD = 0.8


def setup_inputs(seed: int = 0) -> dict:
    key = jax.random.key(seed)
    box_prompts = jax.random.normal(key, (4, 5, 1000, 5), dtype=jnp.float32)
    return {"box_prompts": box_prompts}


def _filter_single_category(boxes):
    # boxes: [max_boxes, 5] (x1, y1, x2, y2, score)
    N = boxes.shape[0]
    score_nonzero = boxes[:, -1] != 0
    n_valid = score_nonzero.sum()
    pos = jnp.arange(N)
    valid_mask = pos < n_valid
    x1, y1, x2, y2 = boxes[:, 0], boxes[:, 1], boxes[:, 2], boxes[:, 3]
    areas = (x2 - x1) * (y2 - y1)
    sort_keys = jnp.where(valid_mask, -areas, jnp.inf)
    sorted_indices = jnp.argsort(sort_keys)  # descending by area among valid rows
    sorted_areas = areas[sorted_indices]
    sx1 = x1[sorted_indices]
    sy1 = y1[sorted_indices]
    sx2 = x2[sorted_indices]
    sy2 = y2[sorted_indices]
    is_contained = (
        (sx1[None, :] >= sx1[:, None])
        & (sy1[None, :] >= sy1[:, None])
        & (sx2[None, :] <= sx2[:, None])
        & (sy2[None, :] <= sy2[:, None])
    )
    is_contained = (
        is_contained
        & valid_mask[None, :]
        & valid_mask[:, None]
        & (pos[None, :] != pos[:, None])
    )
    sum_of_contained_areas = jnp.sum(
        is_contained.astype(jnp.float32) * sorted_areas[None, :], axis=1
    )
    keep_mask = (
        sum_of_contained_areas <= THRESHOLD * (sorted_areas + 1e-09)
    ) & valid_mask
    keep_orig = jnp.zeros(N, dtype=bool).at[sorted_indices].set(keep_mask)
    dest = jnp.where(keep_orig, jnp.cumsum(keep_orig) - 1, N)
    compacted = jnp.zeros_like(boxes).at[dest].set(boxes, mode="drop")
    do_filter = keep_mask.any()
    return jnp.where(do_filter, compacted, boxes)


def reference(box_prompts):
    T, C = box_prompts.shape[:2]
    rows = []
    for t in range(T):
        cats = []
        for c in range(C):
            cats.append(_filter_single_category(box_prompts[t, c]))
        rows.append(jnp.stack(cats, axis=0))
    return jnp.stack(rows, axis=0)

if __name__ == "__main__":
    import jax
    _d = setup_inputs()
    print(jax.jit(kernel)(*tuple(_d.values())))

</pallas_src>

<mosaic_0001>
#map = affine_map<(d0, d1) -> (0)>
module attributes {stable_mosaic.version = 14 : i64} {
  func.func @k(%arg0: i32, %arg1: i32, %arg2: memref<102400xf32, #tpu.memory_space<hbm>>, %arg3: memref<20480xf32, #tpu.memory_space<hbm>>, %arg4: memref<102400xf32, #tpu.memory_space<hbm>>, %arg5: memref<5120xf32, #tpu.memory_space<vmem>>, %arg6: memref<5120xf32, #tpu.memory_space<vmem>>, %arg7: memref<1024xf32, #tpu.memory_space<vmem>>) attributes {dimension_semantics = [#tpu.dimension_semantics<core_parallel>, #tpu.dimension_semantics<subcore_parallel>], iteration_bounds = array<i64: 2, 16>, scalar_prefetch = 0 : i64, scratch_operands = 3 : i64, tpu.core_type = #tpu.core_type<sc_vector_subcore>, window_params = [{transform_indices = #map}, {transform_indices = #map}, {transform_indices = #map}]} {
    %mul3A = arith.constant 2 : i32
    %mul3A_0 = arith.muli %arg1, %mul3A : i32
    %add3A = arith.addi %mul3A_0, %arg0 : i32
    %lt3A = arith.constant 20 : i32
    %lt3A_1 = arith.cmpi slt, %add3A, %lt3A : i32
    %convert_element_type3A = arith.extui %lt3A_1 : i1 to i32
    %cond3A = arith.constant 0 : i32
    %cond3A_2 = arith.cmpi ne, %convert_element_type3A, %cond3A : i32
    scf.if %cond3A_2 {
      %mul3A_3 = arith.constant 5120 : i32
      %mul3A_4 = arith.muli %add3A, %mul3A_3 : i32
      "tpu.region"() ({
        %run_scoped3A = tpu.sem_alloc : memref<!tpu.dma_semaphore, #tpu.memory_space<semaphore_mem>>
        %dma_start3A = tpu.memref_slice %arg2[%mul3A_4] : memref<102400xf32, #tpu.memory_space<hbm>> -> memref<5120xf32, #tpu.memory_space<hbm>>
        %dma_start3A_35 = tpu.memref_slice %arg2[%mul3A_4] : memref<102400xf32, #tpu.memory_space<hbm>> -> memref<5120xf32, #tpu.memory_space<hbm>>
        tpu.enqueue_dma source(%dma_start3A_35 : memref<5120xf32, #tpu.memory_space<hbm>>) target(%arg5 : memref<5120xf32, #tpu.memory_space<vmem>>) target_semaphore(%run_scoped3A : memref<!tpu.dma_semaphore, #tpu.memory_space<semaphore_mem>>)
        %dma_wait3A = tpu.memref_slice %arg2[%mul3A_4] : memref<102400xf32, #tpu.memory_space<hbm>> -> memref<5120xf32, #tpu.memory_space<hbm>>
        %dma_wait3A_36 = tpu.memref_slice %arg2[%mul3A_4] : memref<102400xf32, #tpu.memory_space<hbm>> -> memref<5120xf32, #tpu.memory_space<hbm>>
        tpu.wait_dma2 semaphore(%run_scoped3A : memref<!tpu.dma_semaphore, #tpu.memory_space<semaphore_mem>>) src(%dma_wait3A_36 : memref<5120xf32, #tpu.memory_space<hbm>>) dst(%arg5 : memref<5120xf32, #tpu.memory_space<vmem>>)
        tpu.yield
      }) : () -> ()
      %mul3A_5 = arith.constant 1024 : i32
      %mul3A_6 = arith.muli %add3A, %mul3A_5 : i32
      "tpu.region"() ({
        %run_scoped3A = tpu.sem_alloc : memref<!tpu.dma_semaphore, #tpu.memory_space<semaphore_mem>>
        %dma_start3A = tpu.memref_slice %arg3[%mul3A_6] : memref<20480xf32, #tpu.memory_space<hbm>> -> memref<1024xf32, #tpu.memory_space<hbm>>
        %dma_start3A_35 = tpu.memref_slice %arg3[%mul3A_6] : memref<20480xf32, #tpu.memory_space<hbm>> -> memref<1024xf32, #tpu.memory_space<hbm>>
        tpu.enqueue_dma source(%dma_start3A_35 : memref<1024xf32, #tpu.memory_space<hbm>>) target(%arg7 : memref<1024xf32, #tpu.memory_space<vmem>>) target_semaphore(%run_scoped3A : memref<!tpu.dma_semaphore, #tpu.memory_space<semaphore_mem>>)
        %dma_wait3A = tpu.memref_slice %arg3[%mul3A_6] : memref<20480xf32, #tpu.memory_space<hbm>> -> memref<1024xf32, #tpu.memory_space<hbm>>
        %dma_wait3A_36 = tpu.memref_slice %arg3[%mul3A_6] : memref<20480xf32, #tpu.memory_space<hbm>> -> memref<1024xf32, #tpu.memory_space<hbm>>
        tpu.wait_dma2 semaphore(%run_scoped3A : memref<!tpu.dma_semaphore, #tpu.memory_space<semaphore_mem>>) src(%dma_wait3A_36 : memref<1024xf32, #tpu.memory_space<hbm>>) dst(%arg7 : memref<1024xf32, #tpu.memory_space<vmem>>)
        tpu.yield
      }) : () -> ()
      %broadcast_in_dim3A = arith.constant 0.000000e+00 : f32
      %broadcast_in_dim3A_7 = vector.broadcast %broadcast_in_dim3A : f32 to vector<16xf32>
      %scan3A = arith.constant 0 : i32
      %scan3A_8 = arith.constant 0 : i32
      %scan3A_9 = arith.constant 320 : i32
      %scan3A_10 = arith.addi %scan3A_8, %scan3A_9 : i32
      %scan3A_11 = arith.constant 1 : i32
      scf.for %scan3A_35 = %scan3A_8 to %scan3A_10 step %scan3A_11  : i32 {
        %mul3A_36 = arith.constant 16 : i32
        %mul3A_37 = arith.muli %scan3A_35, %mul3A_36 : i32
        %swap3A = arith.index_cast %mul3A_37 : i32 to index
        %swap3A_38 = tpu.vector_load %arg6[%swap3A] {strides = array<i32>} : memref<5120xf32, #tpu.memory_space<vmem>>, vector<16xf32>,
        tpu.vector_store %arg6[%swap3A], %broadcast_in_dim3A_7 {strides = array<i32>} : memref<5120xf32, #tpu.memory_space<vmem>>, vector<16xf32>,
      }
      %scan3A_12 = arith.constant 320 : i32
      %broadcast_in_dim3A_13 = arith.constant 1 : i32
      %broadcast_in_dim3A_14 = vector.broadcast %broadcast_in_dim3A_13 : i32 to vector<16xi32>
      %broadcast_in_dim3A_15 = arith.constant 0 : i32
      %broadcast_in_dim3A_16 = vector.broadcast %broadcast_in_dim3A_15 : i32 to vector<16xi32>
      %broadcast_in_dim3A_17 = arith.constant 0 : i32
      %broadcast_in_dim3A_18 = vector.broadcast %broadcast_in_dim3A_17 : i32 to vector<16xi32>
      %scan3A_19 = arith.constant 0 : i32
      %scan3A_20 = arith.constant 63 : i32
      %scan3A_21 = arith.addi %scan3A_19, %scan3A_20 : i32
      %scan3A_22 = arith.constant 1 : i32
      %scan3A_23 = scf.for %scan3A_35 = %scan3A_19 to %scan3A_21 step %scan3A_22 iter_args(%scan3A_36 = %broadcast_in_dim3A_18) -> (vector<16xi32>)  : i32 {
        %mul3A_37 = arith.constant 16 : i32
        %mul3A_38 = arith.muli %scan3A_35, %mul3A_37 : i32
        %get3A = arith.index_cast %mul3A_38 : i32 to index
        %get3A_39 = tpu.vector_load %arg7[%get3A] {strides = array<i32>} : memref<1024xf32, #tpu.memory_space<vmem>>, vector<16xf32>,
        %ne3A = arith.constant 0.000000e+00 : f32
        %ne3A_40 = vector.broadcast %ne3A : f32 to vector<16xf32>
        %ne3A_41 = arith.cmpf one, %get3A_39, %ne3A_40 : vector<16xf32>
        %select_n3A = arith.select %ne3A_41, %broadcast_in_dim3A_14, %broadcast_in_dim3A_16 : vector<16xi1>, vector<16xi32>
        %broadcast_in_dim3A_42 = arith.constant true
        %broadcast_in_dim3A_43 = vector.broadcast %broadcast_in_dim3A_42 : i1 to vector<16xi1>
        %masked_cumsum3A = tpu.scan <sum>, %select_n3A masked %broadcast_in_dim3A_43 : vector<16xi32>, vector<16xi1> -> vector<16xi32>
        %add3A_44 = arith.addi %scan3A_36, %masked_cumsum3A : vector<16xi32>
        %sub3A = arith.constant 1 : i32
        %sub3A_45 = vector.broadcast %sub3A : i32 to vector<16xi32>
        %sub3A_46 = arith.subi %add3A_44, %sub3A_45 : vector<16xi32>
        %add3A_47 = arith.constant 0 : i32
        %add3A_48 = vector.broadcast %add3A_47 : i32 to vector<16xi32>
        %add3A_49 = arith.addi %sub3A_46, %add3A_48 : vector<16xi32>
        %mul3A_50 = arith.constant 16 : i32
        %mul3A_51 = arith.muli %scan3A_35, %mul3A_50 : i32
        %add3A_52 = arith.constant 0 : i32
        %add3A_53 = arith.addi %add3A_52, %mul3A_51 : i32
        %get3A_54 = arith.index_cast %add3A_53 : i32 to index
        %get3A_55 = tpu.vector_load %arg5[%get3A_54] {strides = array<i32>} : memref<5120xf32, #tpu.memory_space<vmem>>, vector<16xf32>,
        tpu.vector_store_idx %arg6[%add3A_49], %get3A_55 masked %ne3A_41 : memref<5120xf32, #tpu.memory_space<vmem>>[vector<16xi32>], vector<16xf32>, vector<16xi1>
        %add3A_56 = arith.constant 1024 : i32
        %add3A_57 = vector.broadcast %add3A_56 : i32 to vector<16xi32>
        %add3A_58 = arith.addi %sub3A_46, %add3A_57 : vector<16xi32>
        %mul3A_59 = arith.constant 16 : i32
        %mul3A_60 = arith.muli %scan3A_35, %mul3A_59 : i32
        %add3A_61 = arith.constant 1024 : i32
        %add3A_62 = arith.addi %add3A_61, %mul3A_60 : i32
        %get3A_63 = arith.index_cast %add3A_62 : i32 to index
        %get3A_64 = tpu.vector_load %arg5[%get3A_63] {strides = array<i32>} : memref<5120xf32, #tpu.memory_space<vmem>>, vector<16xf32>,
        tpu.vector_store_idx %arg6[%add3A_58], %get3A_64 masked %ne3A_41 : memref<5120xf32, #tpu.memory_space<vmem>>[vector<16xi32>], vector<16xf32>, vector<16xi1>
        %add3A_65 = arith.constant 2048 : i32
        %add3A_66 = vector.broadcast %add3A_65 : i32 to vector<16xi32>
        %add3A_67 = arith.addi %sub3A_46, %add3A_66 : vector<16xi32>
        %mul3A_68 = arith.constant 16 : i32
        %mul3A_69 = arith.muli %scan3A_35, %mul3A_68 : i32
        %add3A_70 = arith.constant 2048 : i32
        %add3A_71 = arith.addi %add3A_70, %mul3A_69 : i32
        %get3A_72 = arith.index_cast %add3A_71 : i32 to index
        %get3A_73 = tpu.vector_load %arg5[%get3A_72] {strides = array<i32>} : memref<5120xf32, #tpu.memory_space<vmem>>, vector<16xf32>,
        tpu.vector_store_idx %arg6[%add3A_67], %get3A_73 masked %ne3A_41 : memref<5120xf32, #tpu.memory_space<vmem>>[vector<16xi32>], vector<16xf32>, vector<16xi1>
        %add3A_74 = arith.constant 3072 : i32
        %add3A_75 = vector.broadcast %add3A_74 : i32 to vector<16xi32>
        %add3A_76 = arith.addi %sub3A_46, %add3A_75 : vector<16xi32>
        %mul3A_77 = arith.constant 16 : i32
        %mul3A_78 = arith.muli %scan3A_35, %mul3A_77 : i32
        %add3A_79 = arith.constant 3072 : i32
        %add3A_80 = arith.addi %add3A_79, %mul3A_78 : i32
        %get3A_81 = arith.index_cast %add3A_80 : i32 to index
        %get3A_82 = tpu.vector_load %arg5[%get3A_81] {strides = array<i32>} : memref<5120xf32, #tpu.memory_space<vmem>>, vector<16xf32>,
        tpu.vector_store_idx %arg6[%add3A_76], %get3A_82 masked %ne3A_41 : memref<5120xf32, #tpu.memory_space<vmem>>[vector<16xi32>], vector<16xf32>, vector<16xi1>
        %add3A_83 = arith.constant 4096 : i32
        %add3A_84 = vector.broadcast %add3A_83 : i32 to vector<16xi32>
        %add3A_85 = arith.addi %sub3A_46, %add3A_84 : vector<16xi32>
        %mul3A_86 = arith.constant 16 : i32
        %mul3A_87 = arith.muli %scan3A_35, %mul3A_86 : i32
        %add3A_88 = arith.constant 4096 : i32
        %add3A_89 = arith.addi %add3A_88, %mul3A_87 : i32
        %get3A_90 = arith.index_cast %add3A_89 : i32 to index
        %get3A_91 = tpu.vector_load %arg5[%get3A_90] {strides = array<i32>} : memref<5120xf32, #tpu.memory_space<vmem>>, vector<16xf32>,
        tpu.vector_store_idx %arg6[%add3A_85], %get3A_91 masked %ne3A_41 : memref<5120xf32, #tpu.memory_space<vmem>>[vector<16xi32>], vector<16xf32>, vector<16xi1>
        %all_reduce_population_count3A = tpu.all_reduce %ne3A_41 {dim = 0 : i64, kind = #tpu.reduction_kind<sum>} : vector<16xi1> -> vector<16xi32>
        %add3A_92 = arith.addi %scan3A_36, %all_reduce_population_count3A : vector<16xi32>
        scf.yield %add3A_92 : vector<16xi32>
      }
      %scan3A_24 = arith.constant 63 : i32
      %gt3A = arith.constant 0 : i32
      %gt3A_25 = vector.broadcast %gt3A : i32 to vector<16xi32>
      %gt3A_26 = arith.cmpi sgt, %scan3A_23, %gt3A_25 : vector<16xi32>
      %scan3A_27 = arith.constant 0 : i32
      %scan3A_28 = arith.constant 0 : i32
      %scan3A_29 = arith.constant 320 : i32
      %scan3A_30 = arith.addi %scan3A_28, %scan3A_29 : i32
      %scan3A_31 = arith.constant 1 : i32
      scf.for %scan3A_35 = %scan3A_28 to %scan3A_30 step %scan3A_31  : i32 {
        %mul3A_36 = arith.constant 16 : i32
        %mul3A_37 = arith.muli %scan3A_35, %mul3A_36 : i32
        %get3A = arith.index_cast %mul3A_37 : i32 to index
        %get3A_38 = tpu.vector_load %arg6[%get3A] {strides = array<i32>} : memref<5120xf32, #tpu.memory_space<vmem>>, vector<16xf32>,
        %get3A_39 = arith.index_cast %mul3A_37 : i32 to index
        %get3A_40 = tpu.vector_load %arg5[%get3A_39] {strides = array<i32>} : memref<5120xf32, #tpu.memory_space<vmem>>, vector<16xf32>,
        %select_n3A = arith.select %gt3A_26, %get3A_38, %get3A_40 : vector<16xi1>, vector<16xf32>
        %swap3A = arith.index_cast %mul3A_37 : i32 to index
        %swap3A_41 = tpu.vector_load %arg6[%swap3A] {strides = array<i32>} : memref<5120xf32, #tpu.memory_space<vmem>>, vector<16xf32>,
        tpu.vector_store %arg6[%swap3A], %select_n3A {strides = array<i32>} : memref<5120xf32, #tpu.memory_space<vmem>>, vector<16xf32>,
      }
      %scan3A_32 = arith.constant 320 : i32
      %mul3A_33 = arith.constant 5120 : i32
      %mul3A_34 = arith.muli %add3A, %mul3A_33 : i32
      "tpu.region"() ({
        %run_scoped3A = tpu.sem_alloc : memref<!tpu.dma_semaphore, #tpu.memory_space<semaphore_mem>>
        %dma_start3A = tpu.memref_slice %arg4[%mul3A_34] : memref<102400xf32, #tpu.memory_space<hbm>> -> memref<5120xf32, #tpu.memory_space<hbm>>
        %dma_start3A_35 = tpu.memref_slice %arg4[%mul3A_34] : memref<102400xf32, #tpu.memory_space<hbm>> -> memref<5120xf32, #tpu.memory_space<hbm>>
        tpu.enqueue_dma source(%arg6 : memref<5120xf32, #tpu.memory_space<vmem>>) target(%dma_start3A_35 : memref<5120xf32, #tpu.memory_space<hbm>>) target_semaphore(%run_scoped3A : memref<!tpu.dma_semaphore, #tpu.memory_space<semaphore_mem>>)
        %dma_wait3A = tpu.memref_slice %arg4[%mul3A_34] : memref<102400xf32, #tpu.memory_space<hbm>> -> memref<5120xf32, #tpu.memory_space<hbm>>
        %dma_wait3A_36 = tpu.memref_slice %arg4[%mul3A_34] : memref<102400xf32, #tpu.memory_space<hbm>> -> memref<5120xf32, #tpu.memory_space<hbm>>
        tpu.wait_dma2 semaphore(%run_scoped3A : memref<!tpu.dma_semaphore, #tpu.memory_space<semaphore_mem>>) src(%arg6 : memref<5120xf32, #tpu.memory_space<vmem>>) dst(%dma_wait3A_36 : memref<5120xf32, #tpu.memory_space<hbm>>)
        tpu.yield
      }) : () -> ()
    } else {
    }
    return
  }
}

module attributes {stable_mosaic.version = 14 : i64} {
  func.func @_keep_kernel(%arg0: i32, %arg1: memref<1x1024x8xf32, #tpu.memory_space<vmem>>, %arg2: memref<1x8x1024xf32, #tpu.memory_space<vmem>>, %arg3: memref<1x1024x1xf32, #tpu.memory_space<vmem>>) attributes {dimension_semantics = [#tpu.dimension_semantics<arbitrary>], iteration_bounds = array<i64: 20>, scalar_prefetch = 0 : i64, scratch_operands = 0 : i64, tpu.core_type = #tpu.core_type<tc>, window_params = [{transform_indices = @transform_0, window_bounds = array<i64: 1, 1024, 8>}, {transform_indices = @transform_1, window_bounds = array<i64: 1, 8, 1024>}, {transform_indices = @transform_2, window_bounds = array<i64: 1, 1024, 1>}]} {
    %get3A = arith.constant 0 : index
    %get3A_0 = arith.constant 0 : index
    %get3A_1 = arith.constant 0 : index
    %get3A_2 = vector.load %arg1[%get3A, %get3A_0, %get3A_1] : memref<1x1024x8xf32, #tpu.memory_space<vmem>>, vector<1x1024x8xf32>
    %get3A_3 = vector.shape_cast %get3A_2 : vector<1x1024x8xf32> to vector<1024x8xf32>
    %slice3A = vector.extract_strided_slice %get3A_3 {offsets = [0, 0], sizes = [1024, 1], strides = [1, 1]} : vector<1024x8xf32> to vector<1024x1xf32>
    %slice3A_4 = vector.extract_strided_slice %get3A_3 {offsets = [0, 1], sizes = [1024, 1], strides = [1, 1]} : vector<1024x8xf32> to vector<1024x1xf32>
    %slice3A_5 = vector.extract_strided_slice %get3A_3 {offsets = [0, 2], sizes = [1024, 1], strides = [1, 1]} : vector<1024x8xf32> to vector<1024x1xf32>
    %slice3A_6 = vector.extract_strided_slice %get3A_3 {offsets = [0, 3], sizes = [1024, 1], strides = [1, 1]} : vector<1024x8xf32> to vector<1024x1xf32>
    %get3A_7 = arith.constant 0 : index
    %get3A_8 = arith.constant 0 : index
    %get3A_9 = arith.constant 0 : index
    %get3A_10 = vector.load %arg2[%get3A_7, %get3A_8, %get3A_9] : memref<1x8x1024xf32, #tpu.memory_space<vmem>>, vector<1x1x1024xf32>
    %get3A_11 = vector.shape_cast %get3A_10 : vector<1x1x1024xf32> to vector<1x1024xf32>
    %get3A_12 = arith.constant 0 : index
    %get3A_13 = arith.constant 1 : index
    %get3A_14 = arith.constant 0 : index
    %get3A_15 = vector.load %arg2[%get3A_12, %get3A_13, %get3A_14] : memref<1x8x1024xf32, #tpu.memory_space<vmem>>, vector<1x1x1024xf32>
    %get3A_16 = vector.shape_cast %get3A_15 : vector<1x1x1024xf32> to vector<1x1024xf32>
    %get3A_17 = arith.constant 0 : index
    %get3A_18 = arith.constant 2 : index
    %get3A_19 = arith.constant 0 : index
    %get3A_20 = vector.load %arg2[%get3A_17, %get3A_18, %get3A_19] : memref<1x8x1024xf32, #tpu.memory_space<vmem>>, vector<1x1x1024xf32>
    %get3A_21 = vector.shape_cast %get3A_20 : vector<1x1x1024xf32> to vector<1x1024xf32>
    %get3A_22 = arith.constant 0 : index
    %get3A_23 = arith.constant 3 : index
    %get3A_24 = arith.constant 0 : index
    %get3A_25 = vector.load %arg2[%get3A_22, %get3A_23, %get3A_24] : memref<1x8x1024xf32, #tpu.memory_space<vmem>>, vector<1x1x1024xf32>
    %get3A_26 = vector.shape_cast %get3A_25 : vector<1x1x1024xf32> to vector<1x1024xf32>
    %get3A_27 = arith.constant 0 : index
    %get3A_28 = arith.constant 4 : index
    %get3A_29 = arith.constant 0 : index
    %get3A_30 = vector.load %arg2[%get3A_27, %get3A_28, %get3A_29] : memref<1x8x1024xf32, #tpu.memory_space<vmem>>, vector<1x1x1024xf32>
    %get3A_31 = vector.shape_cast %get3A_30 : vector<1x1x1024xf32> to vector<1x1024xf32>
    %ne3A = arith.constant 0.000000e+00 : f32
    %ne3A_32 = vector.broadcast %ne3A : f32 to vector<1x1024xf32>
    %ne3A_33 = arith.cmpf one, %get3A_31, %ne3A_32 : vector<1x1024xf32>
    %convert_element_type3A = arith.extui %ne3A_33 : vector<1x1024xi1> to vector<1x1024xi32>
    %reduce_sum3A = vector.shape_cast %convert_element_type3A : vector<1x1024xi32> to vector<1x1x1024xi32>
    %reduce_sum3A_34 = arith.constant dense<0> : vector<1xi32>
    %reduce_sum3A_35 = vector.multi_reduction <add>, %reduce_sum3A, %reduce_sum3A_34 [1, 2] : vector<1x1x1024xi32> to vector<1xi32>
    %reduce_sum3A_36 = vector.shape_cast %reduce_sum3A_35 : vector<1xi32> to vector<1x1x1xi32>
    %reduce_sum3A_37 = vector.extract %reduce_sum3A_36[0, 0, 0] : i32 from vector<1x1x1xi32>
    %iota3A = tpu.iota {dimensions = array<i32: 1>} : vector<1x1024xi32>
    %iota3A_38 = tpu.iota {dimensions = array<i32: 0>} : vector<1024x1xi32>
    %lt3A = vector.broadcast %reduce_sum3A_37 : i32 to vector<1x1024xi32>
    %lt3A_39 = arith.cmpi slt, %iota3A, %lt3A : vector<1x1024xi32>
    %lt3A_40 = vector.broadcast %reduce_sum3A_37 : i32 to vector<1024x1xi32>
    %lt3A_41 = arith.cmpi slt, %iota3A_38, %lt3A_40 : vector<1024x1xi32>
    %sub3A = arith.subf %get3A_21, %get3A_11 : vector<1x1024xf32>
    %sub3A_42 = arith.subf %get3A_26, %get3A_16 : vector<1x1024xf32>
    %mul3A = arith.mulf %sub3A, %sub3A_42 : vector<1x1024xf32>
    %sub3A_43 = arith.subf %slice3A_5, %slice3A : vector<1024x1xf32>
    %sub3A_44 = arith.subf %slice3A_6, %slice3A_4 : vector<1024x1xf32>
    %mul3A_45 = arith.mulf %sub3A_43, %sub3A_44 : vector<1024x1xf32>
    %jit3A = arith.constant 0.000000e+00 : f32
    %broadcast_in_dim3A = vector.broadcast %jit3A : f32 to vector<1x1024xf32>
    %select_n3A = arith.select %lt3A_39, %mul3A, %broadcast_in_dim3A : vector<1x1024xi1>, vector<1x1024xf32>
    %ge3A = vector.broadcast %get3A_11 : vector<1x1024xf32> to vector<1024x1024xf32>
    %ge3A_46 = vector.broadcast %slice3A : vector<1024x1xf32> to vector<1024x1024xf32>
    %ge3A_47 = arith.cmpf oge, %ge3A, %ge3A_46 : vector<1024x1024xf32>
    %ge3A_48 = vector.broadcast %get3A_16 : vector<1x1024xf32> to vector<1024x1024xf32>
    %ge3A_49 = vector.broadcast %slice3A_4 : vector<1024x1xf32> to vector<1024x1024xf32>
    %ge3A_50 = arith.cmpf oge, %ge3A_48, %ge3A_49 : vector<1024x1024xf32>
    %and3A = arith.andi %ge3A_47, %ge3A_50 : vector<1024x1024xi1>
    %le3A = vector.broadcast %get3A_21 : vector<1x1024xf32> to vector<1024x1024xf32>
    %le3A_51 = vector.broadcast %slice3A_5 : vector<1024x1xf32> to vector<1024x1024xf32>
    %le3A_52 = arith.cmpf ole, %le3A, %le3A_51 : vector<1024x1024xf32>
    %le3A_53 = vector.broadcast %get3A_26 : vector<1x1024xf32> to vector<1024x1024xf32>
    %le3A_54 = vector.broadcast %slice3A_6 : vector<1024x1xf32> to vector<1024x1024xf32>
    %le3A_55 = arith.cmpf ole, %le3A_53, %le3A_54 : vector<1024x1024xf32>
    %and3A_56 = arith.andi %le3A_52, %le3A_55 : vector<1024x1024xi1>
    %and3A_57 = arith.andi %and3A, %and3A_56 : vector<1024x1024xi1>
    %jit3A_58 = arith.constant 0.000000e+00 : f32
    %broadcast_in_dim3A_59 = vector.shape_cast %select_n3A : vector<1x1024xf32> to vector<1x1024xf32>
    %broadcast_in_dim3A_60 = vector.broadcast %broadcast_in_dim3A_59 : vector<1x1024xf32> to vector<1024x1024xf32>
    %broadcast_in_dim3A_61 = vector.broadcast %jit3A_58 : f32 to vector<1024x1024xf32>
    %select_n3A_62 = arith.select %and3A_57, %broadcast_in_dim3A_60, %broadcast_in_dim3A_61 : vector<1024x1024xi1>, vector<1024x1024xf32>
    %reduce_sum3A_63 = arith.constant dense<0.000000e+00> : vector<1024xf32>
    %reduce_sum3A_64 = vector.multi_reduction <add>, %select_n3A_62, %reduce_sum3A_63 [1] : vector<1024x1024xf32> to vector<1024xf32>
    %broadcast_in_dim3A_65 = vector.shape_cast %reduce_sum3A_64 : vector<1024xf32> to vector<1024x1xf32>
    %add3A = arith.constant 9.99999971E-10 : f32
    %add3A_66 = vector.broadcast %add3A : f32 to vector<1024x1xf32>
    %add3A_67 = arith.addf %mul3A_45, %add3A_66 : vector<1024x1xf32>
    %mul3A_68 = arith.constant 8.000000e-01 : f32
    %mul3A_69 = vector.broadcast %mul3A_68 : f32 to vector<1024x1xf32>
    %mul3A_70 = arith.mulf %mul3A_69, %add3A_67 : vector<1024x1xf32>
    %add3A_71 = arith.addf %mul3A_45, %mul3A_70 : vector<1024x1xf32>
    %le3A_72 = arith.cmpf ole, %broadcast_in_dim3A_65, %add3A_71 : vector<1024x1xf32>
    %and3A_73 = arith.andi %le3A_72, %lt3A_41 : vector<1024x1xi1>
    %convert_element_type3A_74 = arith.extui %and3A_73 : vector<1024x1xi1> to vector<1024x1xi32>
    %convert_element_type3A_75 = arith.sitofp %convert_element_type3A_74 : vector<1024x1xi32> to vector<1024x1xf32>
    %swap3A = arith.constant 0 : index
    %swap3A_76 = arith.constant 0 : index
    %swap3A_77 = arith.constant 0 : index
    %swap3A_78 = vector.load %arg3[%swap3A, %swap3A_76, %swap3A_77] : memref<1x1024x1xf32, #tpu.memory_space<vmem>>, vector<1x1024x1xf32>
    %swap3A_79 = vector.shape_cast %swap3A_78 : vector<1x1024x1xf32> to vector<1024x1xf32>
    %swap3A_80 = vector.shape_cast %convert_element_type3A_75 : vector<1024x1xf32> to vector<1x1024x1xf32>
    tpu.vector_store %arg3[%swap3A, %swap3A_76, %swap3A_77], %swap3A_80 {strides = array<i32>} : memref<1x1024x1xf32, #tpu.memory_space<vmem>>, vector<1x1024x1xf32>,
    return
  }
  func.func @transform_0(%arg0: i32) -> (i32, i32, i32) {
    %c0_i32 = arith.constant 0 : i32
    %c0_i32_0 = arith.constant 0 : i32
    %c0_i32_1 = arith.constant 0 : i32
    return %arg0, %c0_i32, %c0_i32_0 : i32, i32, i32
  }
  func.func @transform_1(%arg0: i32) -> (i32, i32, i32) {
    %c0_i32 = arith.constant 0 : i32
    %c0_i32_0 = arith.constant 0 : i32
    %c0_i32_1 = arith.constant 0 : i32
    return %arg0, %c0_i32, %c0_i32_0 : i32, i32, i32
  }
  func.func @transform_2(%arg0: i32) -> (i32, i32, i32) {
    %c0_i32 = arith.constant 0 : i32
    %c0_i32_0 = arith.constant 0 : i32
    %c0_i32_1 = arith.constant 0 : i32
    return %arg0, %c0_i32, %c0_i32_0 : i32, i32, i32
  }
}

</mosaic_0001>

<sc_bundles>
// kernel: kernel.4.cloned.1.call-start
scs
__scs_entry_jumppad:
0x0: {  	(pc) =	sbr.rel $0x88, $3  }
0x1: {  	(tag) =	ssettag $0x0;
	lr =	simm.s32 $0x1  }
0x2: {  	[smem:$0x3FA0] =	sst lr;
	_ =	strace $0xD0000000  }
0x3: {  	_ = 	snop  }
0x4: {  	_ = 	snop  }
0x5: {  	_ = 	snop  }
0x6: {  	_ = 	snop  }
0x7: {  	_ = 	snop  }
__scs_overlays_trampoline_lowered:
0x8: {  	[smem:$0x3FAF] =	sst s0  }
0x9: {  	[smem:$0x3FB0] =	sst s1  }
0xa: {  	[smem:$0x3FB1] =	sst s2  }
0xb: {  	[smem:$0x3FB2] =	sst s3  }
0xc: {  	[smem:$0x3FB3] =	sst s4  }
0xd: {  	[smem:$0x3FB4] =	sst s5  }
0xe: {  	[smem:$0x3FB5] =	sst s6  }
0xf: {  	[smem:$0x3FB6] =	sst s7  }
0x10: {  	[smem:$0x3FB7] =	sst s8  }
0x11: {  	[smem:$0x3FB8] =	sst s9;
	s0 =	simm.s32 @!p0 $0x0  }
0x12: {  	s1 =	sld [smem:$0x3F9E];
	s0 =	simm.s32 @p0 $0x1  }
0x13: {  	[smem:$0x3FB9] =	sst s0;
	s0 =	simm.s32 @!p1 $0x0  }
0x14: {  	s2 =	sld [smem:$0x3F9D];
	s0 =	simm.s32 @p1 $0x1  }
0x15: {  	[smem:$0x3FBA] =	sst s0;
	s0 =	simm.s32 @!p2 $0x0  }
0x16: {  	s3 =	sld [smem:$0x3FDB];
	s0 =	simm.s32 @p2 $0x1  }
0x17: {  	s4 =	simm.s32 $0x1BF5;
	[smem:$0x3FBC] =	sst s0  }
0x18: {  	s0 =	sld [smem:$0x3F9F];
	_ =	swait.ge [sflag:s4], $0x0  }
0x19: {  	s7 =	sld [smem:$0x3FA0]  }
0x1a: {  	s8 =	sadd.s32 $0xFFFFE003, lr  }
0x1b: {  	s9 =	sadd.s32 $0xFFFFFEF7, lr;
	s5 =	simm.s32 $0xFFFFFFFF;
	p2 =	slt.u32 s8, $0xFFFFF086  }
0x1c: {  	p1 =	slt.u32 s9, $0xF7A;
	s5 =	simm.s32 @!p2 $0x0  }
0x1d: {  	s5 =	simm.s32 @p1 $0x1;
	p0 =	seq.s32 s7, s2  }
0x1e: {  	s7 =	smul.u32 @!p0 $0xF7A, s2;
	p2 =	seq.s32 @!p0 s5, $0x0  }
0x1f: {  	s9 =	smul.u32 $0xF7A, s1;
	s8 =	simm.s32 @!p0 $0x1BF5;
	p2 =	por !p2, p0  }
0x20: {  	[sflag:s8] =	ssyncset.s32 @!p0 $0xFFFFF086;
	s6 =	sadd.s32 @!p0 s3, s7;
	s7 =	simm.s32 @!p0 $0x108  }
0x21: {  	s3 =	sadd.s32 s3, s9;
	s6 =	sadd.s32 @!p0 $0x88, s6;
	s7 =	simm.s32 @p2 $0x1082  }
0x22: {  	[simem:s7], [sflag:s8] =	dma.local @!p0 [hbm:s6], $0xF7A  }
0x23: {  	s9 =	sor.u32 $0xD0000000, s2;
	s6 =	simm.s32 $0x108;
	_ =	swait.ge @!p0 [sflag:s8], $0x0  }
0x24: {  	s3 =	sadd.s32 $0x88, s3;
	s6 =	simm.s32 @!p1 $0x1082;
	[sflag:s4] =	ssyncset.s32 $0xFFFFF086  }
0x25: {  	[simem:s6], [sflag:s4] =	dma.local [hbm:s3], $0xF7A  }
0x26: {  	[smem:$0x3FA0] =	sst s1;
	(tag) =	ssettag s2;
	_ =	strace s9  }
0x27: {  	s1 =	sld [smem:$0x3FB0]  }
0x28: {  	s2 =	sld [smem:$0x3FB1]  }
0x29: {  	s4 =	sld [smem:$0x3FB3]  }
0x2a: {  	p0 =	seq.s32 s5, $0x0;
	s5 =	sld [smem:$0x3FB4]  }
0x2b: {  	s6 =	sld [smem:$0x3FB5]  }
0x2c: {  	s7 =	sld [smem:$0x3FB6]  }
0x2d: {  	s3 =	simm.s32 $0x108;
	s8 =	sld [smem:$0x3FB7]  }
0x2e: {  	s3 =	simm.s32 @!p0 $0x1082;
	s9 =	sld [smem:$0x3FB8]  }
0x2f: {  	lr =	sadd.s32 s0, s3;
	s0 =	sld [smem:$0x3FAF]  }
0x30: {  	s3 =	sld [smem:$0x3FB2]  }
0x31: {  	[smem:$0x3FBB] =	sst s10  }
0x32: {  	s10 =	sld [smem:$0x3FB9];
	_ =	sdelay $0x3  }
0x33: {  	p0 =	seq.s32 s10, $0x1;
	s10 =	sld [smem:$0x3FBB];
	_ =	sdelay $0x3  }
0x34: {  	[smem:$0x3FBB] =	sst s10  }
0x35: {  	s10 =	sld [smem:$0x3FBA];
	_ =	sdelay $0x3  }
0x36: {  	p1 =	seq.s32 s10, $0x1;
	s10 =	sld [smem:$0x3FBB];
	_ =	sdelay $0x3  }
0x37: {  	[smem:$0x3FBB] =	sst s10  }
0x38: {  	s10 =	sld [smem:$0x3FBC]  }
0x39: {  	_ = 	snop;
	(pc) =	sbr.ind lr, $3  }
0x3a: {  	_ = 	snop  }
0x3b: {  	_ = 	snop  }
0x3c: {  	p2 =	seq.s32 s10, $0x1;
	s10 =	sld [smem:$0x3FBB]  }
0x3d: {  	_ =	shalt  }
0x3e: {  	_ =	shalt  }
0x3f: {  	_ =	shalt  }
0x40: {  	_ =	shalt  }
0x41: {  	_ =	shalt  }
0x42: {  	_ =	shalt  }
0x43: {  	_ =	shalt  }
0x44: {  	_ =	shalt  }
0x45: {  	_ =	shalt  }
0x46: {  	_ =	shalt  }
0x47: {  	_ =	shalt  }
0x48: {  	_ =	shalt  }
0x49: {  	_ =	shalt  }
0x4a: {  	_ =	shalt  }
0x4b: {  	_ =	shalt  }
0x4c: {  	_ =	shalt  }
0x4d: {  	_ =	shalt  }
0x4e: {  	_ =	shalt  }
0x4f: {  	_ =	shalt  }
0x50: {  	_ =	shalt  }
0x51: {  	_ =	shalt  }
0x52: {  	_ =	shalt  }
0x53: {  	_ =	shalt  }
0x54: {  	_ =	shalt  }
0x55: {  	_ =	shalt  }
0x56: {  	_ =	shalt  }
0x57: {  	_ =	shalt  }
0x58: {  	_ =	shalt  }
0x59: {  	_ =	shalt  }
0x5a: {  	_ =	shalt  }
0x5b: {  	_ =	shalt  }
0x5c: {  	_ =	shalt  }
0x5d: {  	_ =	shalt  }
0x5e: {  	_ =	shalt  }
0x5f: {  	_ =	shalt  }
0x60: {  	_ =	shalt  }
0x61: {  	_ =	shalt  }
0x62: {  	_ =	shalt  }
0x63: {  	_ =	shalt  }
0x64: {  	_ =	shalt  }
0x65: {  	_ =	shalt  }
0x66: {  	_ =	shalt  }
0x67: {  	_ =	shalt  }
0x68: {  	_ =	shalt  }
0x69: {  	_ =	shalt  }
0x6a: {  	_ =	shalt  }
0x6b: {  	_ =	shalt  }
0x6c: {  	_ =	shalt  }
0x6d: {  	_ =	shalt  }
0x6e: {  	_ =	shalt  }
0x6f: {  	_ =	shalt  }
0x70: {  	_ =	shalt  }
0x71: {  	_ =	shalt  }
0x72: {  	_ =	shalt  }
0x73: {  	_ =	shalt  }
0x74: {  	_ =	shalt  }
0x75: {  	_ =	shalt  }
0x76: {  	_ =	shalt  }
0x77: {  	_ =	shalt  }
0x78: {  	_ =	shalt  }
0x79: {  	_ =	shalt  }
0x7a: {  	_ =	shalt  }
0x7b: {  	_ =	shalt  }
0x7c: {  	_ =	shalt  }
0x7d: {  	_ =	shalt  }
0x7e: {  	_ =	shalt  }
0x7f: {  	_ =	shalt  }
0x80: {  	_ =	shalt  }
0x81: {  	_ =	shalt  }
0x82: {  	_ =	shalt  }
0x83: {  	_ =	shalt  }
0x84: {  	_ =	shalt  }
0x85: {  	_ =	shalt  }
0x86: {  	_ =	shalt  }
0x87: {  	_ =	shalt  }
.Lfunc_end0:
.L_simem_size_0:
called_computation_lowered:
.L_overlay_start_0:
0x88: {  	s2 =	sld [smem:$0x3FD9]  }
0x89: {  	s3 =	sld [smem:$0x3FFE];
	_ =	sdelay $0x1  }
0x8a: {  	s1 =	srdreg.scid  }
0x8b: {  	s0 =	sand.u32 $0x1, s1  }
0x8c: {  	s17 =	sshll.u32 s0, $0xA;
	s2 =	sadd.s32 s3, s2  }
0x8d: {  	s2 =	sadd.s32 s2, s17  }
0x8e: {  	[smem:$0x3FC7] =	sst s2  }
0x8f: {  	_ = 	snop  }
0x90: {  	s2 =	sld [smem:$0x3FD0];
	(tm) =	ssettm $0x1  }
0x91: {  	s18 =	sld [smem:$0x3FFB];
	_ =	sdelay $0x3  }
0x92: {  	_ =	strace s18  }
0x93: {  	s3 =	sld [smem:$0x3FFC];
	_ =	sdelay $0x3  }
0x94: {  	_ =	strace s3  }
0x95: {  	s3 =	sld [smem:$0x3FFD];
	_ =	sdelay $0x3  }
0x96: {  	_ =	strace s3  }
0x97: {  	_ =	strace $0x8FFFFFFF  }
0x98: {  	s19 =	sld [smem:$0x3FDB];
	_ =	sdelay $0x1  }
0x99: {  	s4 =	simm.s32 $_scs_section_size  }
0x9a: {  	s5 =	simm.s32 $_size__tile_overlayer_lowered;
	s6 =	simm.s32 $_tile_overlayer_lowered  }
0x9b: {  	s22 =	simm.s32 $0x1BFF;
	s21 =	sshll.u32 s6, $0x1;
	s3 =	sadd.s32 s4, s19  }
0x9c: {  	s7 =	simm.s32 $0x0;
	s20 =	sshll.u32 s5, $0x1;
	s5 =	sadd.s32 s21, s3  }
0x9d: {  	[timem:s7], [sflag:s22] =	dma.local [hbm:s5], s20  }
0x9e: {  	_ =	swait.ge [sflag:s22], s20  }
0x9f: {  	s4 =	ssub.s32 $0x0, s20;
	[sflag:s22] =	ssyncset.done $0x0  }
0xa0: {  	[sflag:s22] =	ssyncadd.s32 s4;
	_ =	sdelay $0x1  }
0xa1: {  	s23 =	simm.s32 $0x1B8B  }
0xa2: {  	_ =	swait.ge [sflag:s23], $0x1  }
0xa3: {  	[sflag:s23] =	ssyncset.done $0x0  }
0xa4: {  	s25 =	simm.s32 $0x1B8E;
	s24 =	sld [smem:$0x3FFE];
	[sflag:s23] =	ssyncadd.s32 $0xFFFFFFFF  }
0xa5: {  	s26 =	simm.s32 $execute0_lowered;
	[smem:$0x3FD2] =	sst s25  }
0xa6: {  	s5 =	sshll.u32 s26, $0x1;
	_ =	strace $0x80000046;
	[dreg:$0x1] =	wrdreg $0xFFFFFFFF  }
0xa7: {  	s28 =	simm.s32 $_size_execute0_lowered;
	s3 =	sadd.s32 s3, s5;
	[dreg:$0x0] =	wrdreg $0x0  }
0xa8: {  	s5 =	sshll.u32 s28, $0x1;
	[dreg:$0x2] =	wrdreg s3  }
0xa9: {  	[dreg:$0x3] =	wrdreg s5  }
0xaa: {  	[dreg:$0x4] =	wrdreg $0xC0  }
0xab: {  	_ =	task [dreg:s7], $0x5FFFF  }
0xac: {  	[dreg:$0x1] =	wrdreg $0xFFFFFFFF  }
0xad: {  	[dreg:$0x0] =	wrdreg $0x60  }
0xae: {  	[dreg:$0x2] =	wrdreg s2  }
0xaf: {  	[dreg:$0x3] =	wrdreg s24  }
0xb0: {  	[dreg:$0x4] =	wrdreg $0x9  }
0xb1: {  	_ =	task.clear_ibuf [dreg:s7], $0x5FFFF;
	_ =	strace $0x90000046  }
0xb2: {  	s29 =	simm.s32 $0x9;
	_ =	strace $0x80000048  }
0xb3: {  	_ =	swait.ge [sflag:s29], $0x1  }
0xb4: {  	[sflag:s29] =	ssyncadd.s32 $0xFFFFFFFF  }
0xb5: {  	_ =	strace $0x90000048  }
0xb6: {  	_ =	sfence  }
0xb7: {  	s30 =	sld [smem:$0x0];
	_ =	sdelay $0x2  }
0xb8: {  	s31 =	sshll.u32 s1, $0xD;
	s1 =	sshrl.u32 s1, $0x2  }
0xb9: {  	s3 =	sand.u32 $0x4000, s31;
	s1 =	sadd.s32 s1, s30  }
0xba: {  	s0 =	sor.u32 s3, s0;
	s1 =	sshll.u32 s1, $0x11  }
0xbb: {  	s0 =	sor.u32 s1, s0  }
0xbc: {  	s0 =	sadd.s32 $0x8F2B, s0  }
0xbd: {  	[sflag:s0] =	ssyncadd.remote.s32 $0x1  }
0xbe: {  	_ =	sfence.sel $0xFFFF  }
0xbf: {  	[dreg:$0x0] =	wrdreg $0xFFFFFFFF;
	(pc) =	sbr.abs _section_cstart, $3  }
0xc0: {  	[dreg:$0x1] =	wrdreg $0xFFFFFFFF  }
0xc1: {  	_ =	task.clear_ibuf [dreg:s7], $0x2FFFF;
	_ =	strace $0x9FFFFFFF  }
0xc2: {  	(tm) =	ssettm $0x7FFFFFFF  }
0xc3: {  	_ =	shalt  }
tec
execute0_lowered:
.L_overlay_start_1:
0x0: {  	(tag) =	ssettag $0x1  }
0x1: {  	s1 =	stileid.u32  }
0x2: {  	p0 =	sgt.u32 s1, $0x9  }
.Ltmp0:
0x3: {  	_ = 	snop;
	(pc) =	sbr.rel @p0 .LBB2_9-.Ltmp0, $4  }
0x4: {  	s5 =	rddreg [dreg:$0x0]  }
0x5: {  	s3 =	rddreg [dreg:$0x1];
	s2 =	simm.s32 $0x0  }
0x6: {  	[smem:$0x7FF] =	sst s2  }
0x7: {  	s0 =	rddreg [dreg:$0x2];
	_ =	strace $0x80000047  }
0x8: {  	s4 =	srdreg.scid  }
0x9: {  	s6 =	sshll.u32 s1, $0x1;
	s4 =	sand.u32 $0x1, s4  }
0xa: {  	s10 =	simm.s32 $0x0;
	s6 =	sor.u32 s4, s6;
	s8 =	ssub.s32 $0x2, s4  }
0xb: {  	s7 =	smul.u32 $0x280, s6;
	s6 =	sshll.u32 s6, $0x7;
	s9 =	sshrl.u32 s8, $0x1  }
0xc: {  	s31 =	ssub.s32 s8, s9;
	s8 =	simm.s32 $0x2800;
	s9 =	simm.s32 $0x1400  }
0xd: {  	s30 =	sadd.s32 s7, s3;
	s3 =	sadd.s32 s3, s6;
	s5 =	sadd.s32 s5, s7  }
0xe: {  	v0 =	vimm.f32 $0.0e+00;
	v1 =	vimm.s32 $0x0;
	s6 =	smax.u32 s31, $0x1;
	s7 =	simm.s32 $0x1;
	s4 =	sadd.s32 $0xA00, s30  }
.LBB2_2:
0xf: {  	s11 =	simm.s32 $0x0  }
0x10: {  	[tilespmem:s11], [sflag:$0x1] =	stream.linear.gather [hbm4b:s5+s11], $0x1400, $0x38;
	[tilespmem:$0x2C00] =	vst v63  }
0x11: {  	_ =	swait.ge [sflag:s7], $0x1400  }
0x12: {  	[sflag:s7] =	ssyncset.done $0x0  }
0x13: {  	[sflag:s7] =	ssyncadd.s32 $0xFFFFEC00  }
0x14: {  	[tilespmem:s8], [sflag:$0x1] =	stream.linear.gather [hbm4b:s3+s11], $0x400, $0x38;
	[tilespmem:$0x2C00] =	vst v63  }
0x15: {  	_ =	swait.ge [sflag:s7], $0x400  }
0x16: {  	[sflag:s7] =	ssyncset.done $0x0  }
0x17: {  	s12 =	simm.s32 $0x0;
	[sflag:s7] =	ssyncadd.s32 $0xFFFFFC00  }
.LBB2_3:
0x18: {  	p0 =	sne.s32 s12, $0x4FC0  }
.Ltmp1:
0x19: {  	_ = 	snop;
	(pc) =	sbr.rel @p0 .LBB2_3-.Ltmp1, $3  }
0x1a: {  	_ =	sdelay $0x1  }
0x1b: {  	s13 =	sshra.s32 s12, $0x2  }
0x1c: {  	s12 =	sadd.s32 $0x40, s12;
	[tilespmem:s13+$0x1400] =	vst v0  }
0x1d: {  	v2 =	vimm.s32 $0x0;
	s12 =	simm.s32 $0x2800;
	s13 =	simm.s32 $0x0  }
.LBB2_5:
0x1e: {  	v3 =	vld [tilespmem:s12+$0x0];
	_ =	sdelay $0x4  }
0x1f: {  	vm0 =	vlt.f32 v3, $0.0e+00;
	vm1 =	vgt.f32 v3, $0.0e+00  }
0x20: {  	vm0 =	vmor vm1, vm0  }
0x21: {  	v3 =	vsel vm0, $0x1, v1  }
0x22: {  	(xrf0) =	vadd.scan.msk.s32 $0xffff, v3;
	_ =	sdelay $0x5  }
0x23: {  	v3, _, _ =	vpop (xrf0)  }
0x24: {  	v3 =	vadd.s32 v2, v3  }
0x25: {  	v5 =	vld [tilespmem:s11+$0x0];
	v4 =	vadd.s32 $0xFFFFFFFF, v3;
	_ =	sdelay $0x4  }
0x26: {  	s14 =	sand.u32 $0x3F0, s13;
	[tilespmem:v4+s9+$0x0] =	vst.idx.msk vm0, v5  }
0x27: {  	v60 =	vadd.s32 $0x3FF, v3;
	v5 =	vld [tilespmem:s14+$0x400];
	_ =	sdelay $0x4  }
0x28: {  	[tilespmem:v60+s9+$0x0] =	vst.idx.msk vm0, v5  }
0x29: {  	v61 =	vadd.s32 $0x7FF, v3;
	v5 =	vld [tilespmem:s14+$0x800];
	_ =	sdelay $0x4  }
0x2a: {  	[tilespmem:v61+s9+$0x0] =	vst.idx.msk vm0, v5  }
0x2b: {  	v62 =	vadd.s32 $0xBFF, v3;
	v5 =	vld [tilespmem:s14+$0xC00];
	_ =	sdelay $0x4  }
0x2c: {  	[tilespmem:v62+s9+$0x0] =	vst.idx.msk vm0, v5  }
0x2d: {  	p0 =	sne.s32 s13, $0x3E0;
	v3 =	vadd.s32 $0xFFF, v3;
	v4 =	vld [tilespmem:s14+$0x1000]  }
.Ltmp2:
0x2e: {  	_ = 	snop;
	(pc) =	sbr.rel @p0 .LBB2_5-.Ltmp2, $3  }
0x2f: {  	_ = 	snop  }
0x30: {  	v63 =	vmpcnt.ones.xlane vm0;
	_ =	sdelay $0x1  }
0x31: {  	s12 =	sadd.s32 $0x10, s12;
	s11 =	sadd.s32 $0x10, s11;
	s13 =	sadd.s32 $0x10, s13;
	v2 =	vadd.s32 v2, v63;
	[tilespmem:v3+s9+$0x0] =	vst.idx.msk vm0, v4  }
0x32: {  	s11 =	simm.s32 $0x0  }
0x33: {  	s12 =	simm.s32 $0x40;
	v3 =	vld [tilespmem:s11+$0x0]  }
.LBB2_7:
0x34: {  	p0 =	sne.s32 s12, $0x4FC0;
	v4 =	vld [tilespmem:s11+$0x1400];
	_ =	sdelay $0x1  }
.Ltmp3:
0x35: {  	(pc) =	sbr.rel @p0 .LBB2_7-.Ltmp3, $4  }
0x36: {  	_ = 	snop  }
0x37: {  	vm0 =	vgt.s32 v2, $0x0  }
0x38: {  	s13 =	sshra.s32 s12, $0x2;
	v4 =	vsel vm0, v4, v3  }
0x39: {  	s12 =	sadd.s32 $0x40, s12;
	v3 =	vld [tilespmem:s13+$0x0];
	[tilespmem:s11+$0x1400] =	vst v4;
	s11 =	smov.u32 s13  }
0x3a: {  	v2 =	vld [tilespmem:s11+$0x1400];
	_ =	sdelay $0x3  }
0x3b: {  	s10 =	sadd.s32 $0x1, s10  }
0x3c: {  	p0 =	sne.s32 s10, s6;
	v2 =	vsel vm0, v2, v3  }
.Ltmp4:
0x3d: {  	[tilespmem:s11+$0x1400] =	vst v2;
	(pc) =	sbr.rel @p0 .LBB2_2-.Ltmp4, $4  }
0x3e: {  	[hbm4b:s4+s2] =	stream.linear.scatter [tilespmem:s9], [sflag:$0x1], $0x1400, $0x38;
	[tilespmem:$0x2C00] =	vst v63  }
0x3f: {  	_ =	swait.ge [sflag:s7], $0x1400  }
0x40: {  	[sflag:s7] =	ssyncset.done $0x0  }
0x41: {  	[sflag:s7] =	ssyncadd.s32 $0xFFFFEC00  }
.LBB2_9:
0x42: {  	_ =	sfence.sel $0x180000  }
0x43: {  	[bflag:$0x0] =	sbarrier.arrive $0xFFFF  }
0x44: {  	p0 =	sne.s32 s1, $0x0;
	_ =	strace $0x90000047  }
0x45: {  	s0 =	sadd.s32 @!p0 $0x100000, s0;
	[bflag:$0x2] =	sbarrier.arrive $0xFFFF  }
0x46: {  	[sflag:s0] =	ssyncadd.tile.s32 @!p0 $0x1;
	_ =	shalt  }
.Lfunc_end2:
_tile_overlayer_lowered:
.L_overlay_start_2:
0x47: {  	(tag) =	ssettag $0x2  }
0x48: {  	s0 =	rddreg [dreg:$0x0];
	s2 =	stileid.u32  }
0x49: {  	s1 =	rddreg [dreg:$0x1];
	p0 =	sne.s32 s2, $0x0  }
0x4a: {  	s3 =	rddreg [dreg:$0x2];
	[bflag:$0x3] =	sbarrier.arrive $0xFFFF;
	s2 =	simm.s32 @!p0 $0x1C01  }
0x4b: {  	[timem:s3], [sflag:s2] =	dma.local @!p0 [hbm:s0], s1  }
0x4c: {  	s0 =	simm.s32 @!p0 $0x1  }
0x4d: {  	_ =	swait.ge @!p0 [sflag:s0], s1  }
0x4e: {  	s1 =	ssub.s32 @!p0 $0x0, s1;
	[sflag:s0] =	ssyncset.done @!p0 $0x0  }
0x4f: {  	[sflag:s0] =	ssyncadd.s32 @!p0 s1  }
0x50: {  	[bflag:$0x3] =	sbarrier.arrive $0xFFFF  }
0x51: {  	_ =	shalt  }

</sc_bundles>
